<compile_context>
chip_gen: v7x
topology: tpu7x:2x2x1
jax: 0.10.2.dev20260603
libtpu: 0.0.44.dev20260713+nightly
codegen_flags: <defaults>
</compile_context>

<pallas_src>
import functools

import jax
import jax.numpy as jnp
from jax import lax
from jax.experimental import pallas as pl
from jax.experimental.pallas import tpu as pltpu
from jax.experimental.pallas import tpu_sc as plsc



BATCH_BLOCK = 128


def _add_kernel(x_ref, pe_ref, o_ref):
    o_ref[...] = x_ref[...] + pe_ref[...]


def _kernel_tc(x, pos_emb):
    B, L, D = x.shape
    pe = pos_emb[:L]
    grid = (B // BATCH_BLOCK,)
    return pl.pallas_call(
        _add_kernel,
        grid=grid,
        in_specs=[
            pl.BlockSpec((BATCH_BLOCK, L, D), lambda i: (i, 0, 0)),
            pl.BlockSpec((L, D), lambda i: (0, 0)),
        ],
        out_specs=pl.BlockSpec((BATCH_BLOCK, L, D), lambda i: (i, 0, 0)),
        out_shape=jax.ShapeDtypeStruct((B, L, D), x.dtype),
        compiler_params=pltpu.CompilerParams(
            vmem_limit_bytes=60 * 1024 * 1024,
        ),
    )(x, pe)



_SC_COMPUTE = False

_NC = 2
_NS = 16
_NW = _NC * _NS
_LANES = 16


def _make_sc(B, L, D):
    chunk = L * D
    bpw = B // _NW
    n = B * L * D

    mesh = plsc.VectorSubcoreMesh(core_axis_name="c", subcore_axis_name="s")

    nbuf = 4

    @functools.partial(
        pl.kernel,
        mesh=mesh,
        out_type=jax.ShapeDtypeStruct((n,), jnp.float32),
        scratch_types=(
            [pltpu.VMEM((chunk,), jnp.float32)]
            + [pltpu.VMEM((chunk,), jnp.float32)] * nbuf
            + [pltpu.SemaphoreType.DMA] * nbuf
            + [pltpu.SemaphoreType.DMA] * nbuf
        ),
    )
    def sc_add(x_hbm, pe_hbm, out_hbm, pe_v, *rest):
        bufs = rest[:nbuf]
        lsem = rest[nbuf:2 * nbuf]
        ssem = rest[2 * nbuf:3 * nbuf]
        wid = lax.axis_index("s") * _NC + lax.axis_index("c")
        pltpu.sync_copy(pe_hbm, pe_v)
        row0 = wid * bpw

        def compute(buf):
            @plsc.parallel_loop(0, chunk // _LANES, 1, unroll=16)
            def _(i):
                s = pl.multiple_of(i * _LANES, _LANES)
                buf[pl.ds(s, _LANES)] = buf[pl.ds(s, _LANES)] + pe_v[pl.ds(s, _LANES)]

        def src(b):
            base = pl.multiple_of((row0 + b) * chunk, 8)
            return x_hbm.at[pl.ds(base, chunk)]

        def dst(b):
            base = pl.multiple_of((row0 + b) * chunk, 8)
            return out_hbm.at[pl.ds(base, chunk)]

        pltpu.async_copy(src(0), bufs[0], lsem[0])
        pltpu.async_copy(src(1), bufs[1], lsem[1])

        def body(q, carry):
            for j in range(nbuf):
                c = q * nbuf + j
                jn = (j + 2) % nbuf
                pltpu.make_async_copy(src(c), bufs[j], lsem[j]).wait()
                if _SC_COMPUTE:
                    compute(bufs[j])
                if j >= 2:
                    pltpu.make_async_copy(bufs[jn], dst(c), ssem[jn]).wait()
                else:
                    @pl.when(q > 0)
                    def _():
                        pltpu.make_async_copy(bufs[jn], dst(c), ssem[jn]).wait()

                @pl.when(c + 2 < bpw)
                def _():
                    pltpu.async_copy(src(c + 2), bufs[jn], lsem[jn])

                pltpu.async_copy(bufs[j], dst(c), ssem[j])
            return carry

        lax.fori_loop(0, bpw // nbuf, body, 0)
        pltpu.make_async_copy(bufs[2], dst(bpw - 2), ssem[2]).wait()
        pltpu.make_async_copy(bufs[3], dst(bpw - 1), ssem[3]).wait()

    return sc_add


def _kernel_sc(x, pos_emb):
    B, L, D = x.shape
    pe = pos_emb[:L]
    out = _make_sc(B, L, D)(x.reshape(-1), pe.reshape(-1))
    return out.reshape(B, L, D)


def kernel(x, pos_emb):
    return _kernel_sc(x, pos_emb)

# --- scband reference (transcript-rebuilt; emitter-appended) ---
"""Pipeline reference for scband-positional-embedding-6700148982503 (READ-ONLY COPY).

The authoritative reference and input builder live on the scoring server;
editing this copy changes nothing except your own understanding.
"""

import jax, jax.numpy as jnp
import numpy as np

OUT_FEATURES = 128
MAX_LEN = 200
BATCH = 16384
SEQ_LEN = 200

def setup_inputs(seed: int = 0) -> dict:
    key = jax.random.key(seed)
    k_x, k_emb = jax.random.split(key)
    x = jax.random.normal(k_x, (BATCH, SEQ_LEN, OUT_FEATURES), dtype=jnp.float32)
    # torch.nn.Embedding default init: N(0, 1)
    pos_emb = jax.random.normal(k_emb, (MAX_LEN, OUT_FEATURES), dtype=jnp.float32)
    return {"x": x, "pos_emb": pos_emb}

def reference(x, pos_emb):
    # positions = arange(x.size(1)); gather rows from pos_emb table, broadcast add
    positions = jnp.arange(x.shape[1], dtype=jnp.int32)
    pe = jnp.take(pos_emb, positions, axis=0)  # [L, D]
    return x + pe[None, :, :]

if __name__ == "__main__":
    import jax
    _d = setup_inputs()
    print(jax.jit(kernel)(*tuple(_d.values())))

</pallas_src>

<mosaic_0001>
#map = affine_map<(d0, d1) -> (0)>
module attributes {stable_mosaic.version = 14 : i64} {
  func.func @sc_add(%arg0: i32, %arg1: i32, %arg2: memref<419430400xf32, #tpu.memory_space<hbm>>, %arg3: memref<25600xf32, #tpu.memory_space<hbm>>, %arg4: memref<419430400xf32, #tpu.memory_space<hbm>>, %arg5: memref<25600xf32, #tpu.memory_space<vmem>>, %arg6: memref<25600xf32, #tpu.memory_space<vmem>>, %arg7: memref<25600xf32, #tpu.memory_space<vmem>>, %arg8: memref<25600xf32, #tpu.memory_space<vmem>>, %arg9: memref<25600xf32, #tpu.memory_space<vmem>>, %arg10: memref<!tpu.dma_semaphore, #tpu.memory_space<semaphore_mem>>, %arg11: memref<!tpu.dma_semaphore, #tpu.memory_space<semaphore_mem>>, %arg12: memref<!tpu.dma_semaphore, #tpu.memory_space<semaphore_mem>>, %arg13: memref<!tpu.dma_semaphore, #tpu.memory_space<semaphore_mem>>, %arg14: memref<!tpu.dma_semaphore, #tpu.memory_space<semaphore_mem>>, %arg15: memref<!tpu.dma_semaphore, #tpu.memory_space<semaphore_mem>>, %arg16: memref<!tpu.dma_semaphore, #tpu.memory_space<semaphore_mem>>, %arg17: memref<!tpu.dma_semaphore, #tpu.memory_space<semaphore_mem>>) attributes {dimension_semantics = [#tpu.dimension_semantics<core_parallel>, #tpu.dimension_semantics<subcore_parallel>], iteration_bounds = array<i64: 2, 16>, scalar_prefetch = 0 : i64, scratch_operands = 13 : i64, tpu.core_type = #tpu.core_type<sc_vector_subcore>, window_params = [{transform_indices = #map}, {transform_indices = #map}, {transform_indices = #map}]} {
    %mul3A = arith.constant 2 : i32
    %mul3A_0 = arith.muli %arg1, %mul3A : i32
    %add3A = arith.addi %mul3A_0, %arg0 : i32
    "tpu.region"() ({
      %run_scoped3A = tpu.sem_alloc : memref<!tpu.dma_semaphore, #tpu.memory_space<semaphore_mem>>
      tpu.enqueue_dma source(%arg3 : memref<25600xf32, #tpu.memory_space<hbm>>) target(%arg5 : memref<25600xf32, #tpu.memory_space<vmem>>) target_semaphore(%run_scoped3A : memref<!tpu.dma_semaphore, #tpu.memory_space<semaphore_mem>>)
      tpu.wait_dma2 semaphore(%run_scoped3A : memref<!tpu.dma_semaphore, #tpu.memory_space<semaphore_mem>>) src(%arg3 : memref<25600xf32, #tpu.memory_space<hbm>>) dst(%arg5 : memref<25600xf32, #tpu.memory_space<vmem>>)
      tpu.yield
    }) : () -> ()
    %mul3A_1 = arith.constant 512 : i32
    %mul3A_2 = arith.muli %add3A, %mul3A_1 : i32
    %add3A_3 = arith.constant 0 : i32
    %add3A_4 = arith.addi %mul3A_2, %add3A_3 : i32
    %mul3A_5 = arith.constant 25600 : i32
    %mul3A_6 = arith.muli %add3A_4, %mul3A_5 : i32
    %multiple_of3A = tpu.assume_multiple %mul3A_6, 8 : i32
    %dma_start3A = tpu.memref_slice %arg2[%multiple_of3A] : memref<419430400xf32, #tpu.memory_space<hbm>> -> memref<25600xf32, #tpu.memory_space<hbm>>
    %dma_start3A_7 = tpu.memref_slice %arg2[%multiple_of3A] : memref<419430400xf32, #tpu.memory_space<hbm>> -> memref<25600xf32, #tpu.memory_space<hbm>>
    tpu.enqueue_dma source(%dma_start3A_7 : memref<25600xf32, #tpu.memory_space<hbm>>) target(%arg6 : memref<25600xf32, #tpu.memory_space<vmem>>) target_semaphore(%arg10 : memref<!tpu.dma_semaphore, #tpu.memory_space<semaphore_mem>>)
    %add3A_8 = arith.constant 1 : i32
    %add3A_9 = arith.addi %mul3A_2, %add3A_8 : i32
    %mul3A_10 = arith.constant 25600 : i32
    %mul3A_11 = arith.muli %add3A_9, %mul3A_10 : i32
    %multiple_of3A_12 = tpu.assume_multiple %mul3A_11, 8 : i32
    %dma_start3A_13 = tpu.memref_slice %arg2[%multiple_of3A_12] : memref<419430400xf32, #tpu.memory_space<hbm>> -> memref<25600xf32, #tpu.memory_space<hbm>>
    %dma_start3A_14 = tpu.memref_slice %arg2[%multiple_of3A_12] : memref<419430400xf32, #tpu.memory_space<hbm>> -> memref<25600xf32, #tpu.memory_space<hbm>>
    tpu.enqueue_dma source(%dma_start3A_14 : memref<25600xf32, #tpu.memory_space<hbm>>) target(%arg7 : memref<25600xf32, #tpu.memory_space<vmem>>) target_semaphore(%arg11 : memref<!tpu.dma_semaphore, #tpu.memory_space<semaphore_mem>>)
    %scan3A = arith.constant 0 : i32
    %scan3A_15 = arith.constant 0 : i32
    %scan3A_16 = arith.constant 128 : i32
    %scan3A_17 = arith.addi %scan3A_15, %scan3A_16 : i32
    %scan3A_18 = arith.constant 1 : i32
    scf.for %scan3A_33 = %scan3A_15 to %scan3A_17 step %scan3A_18  : i32 {
      %mul3A_34 = arith.constant 4 : i32
      %mul3A_35 = arith.muli %scan3A_33, %mul3A_34 : i32
      %add3A_36 = arith.constant 0 : i32
      %add3A_37 = arith.addi %mul3A_35, %add3A_36 : i32
      %add3A_38 = arith.addi %mul3A_2, %add3A_37 : i32
      %mul3A_39 = arith.constant 25600 : i32
      %mul3A_40 = arith.muli %add3A_38, %mul3A_39 : i32
      %multiple_of3A_41 = tpu.assume_multiple %mul3A_40, 8 : i32
      %dma_wait3A_42 = tpu.memref_slice %arg2[%multiple_of3A_41] : memref<419430400xf32, #tpu.memory_space<hbm>> -> memref<25600xf32, #tpu.memory_space<hbm>>
      %dma_wait3A_43 = tpu.memref_slice %arg2[%multiple_of3A_41] : memref<419430400xf32, #tpu.memory_space<hbm>> -> memref<25600xf32, #tpu.memory_space<hbm>>
      tpu.wait_dma2 semaphore(%arg10 : memref<!tpu.dma_semaphore, #tpu.memory_space<semaphore_mem>>) src(%dma_wait3A_43 : memref<25600xf32, #tpu.memory_space<hbm>>) dst(%arg6 : memref<25600xf32, #tpu.memory_space<vmem>>)
      %gt3A = arith.constant 0 : i32
      %gt3A_44 = arith.cmpi sgt, %scan3A_33, %gt3A : i32
      %convert_element_type3A = arith.extui %gt3A_44 : i1 to i32
      %cond3A = arith.constant 0 : i32
      %cond3A_45 = arith.cmpi ne, %convert_element_type3A, %cond3A : i32
      scf.if %cond3A_45 {
        %add3A_144 = arith.addi %mul3A_2, %add3A_37 : i32
        %mul3A_145 = arith.constant 25600 : i32
        %mul3A_146 = arith.muli %add3A_144, %mul3A_145 : i32
        %multiple_of3A_147 = tpu.assume_multiple %mul3A_146, 8 : i32
        %dma_wait3A_148 = tpu.memref_slice %arg4[%multiple_of3A_147] : memref<419430400xf32, #tpu.memory_space<hbm>> -> memref<25600xf32, #tpu.memory_space<hbm>>
        %dma_wait3A_149 = tpu.memref_slice %arg4[%multiple_of3A_147] : memref<419430400xf32, #tpu.memory_space<hbm>> -> memref<25600xf32, #tpu.memory_space<hbm>>
        tpu.wait_dma2 semaphore(%arg16 : memref<!tpu.dma_semaphore, #tpu.memory_space<semaphore_mem>>) src(%arg8 : memref<25600xf32, #tpu.memory_space<vmem>>) dst(%dma_wait3A_149 : memref<25600xf32, #tpu.memory_space<hbm>>)
      } else {
      }
      %add3A_46 = arith.constant 2 : i32
      %add3A_47 = arith.addi %add3A_37, %add3A_46 : i32
      %lt3A = arith.constant 512 : i32
      %lt3A_48 = arith.cmpi slt, %add3A_47, %lt3A : i32
      %convert_element_type3A_49 = arith.extui %lt3A_48 : i1 to i32
      %cond3A_50 = arith.constant 0 : i32
      %cond3A_51 = arith.cmpi ne, %convert_element_type3A_49, %cond3A_50 : i32
      scf.if %cond3A_51 {
        %add3A_144 = arith.constant 2 : i32
        %add3A_145 = arith.addi %add3A_37, %add3A_144 : i32
        %add3A_146 = arith.addi %mul3A_2, %add3A_145 : i32
        %mul3A_147 = arith.constant 25600 : i32
        %mul3A_148 = arith.muli %add3A_146, %mul3A_147 : i32
        %multiple_of3A_149 = tpu.assume_multiple %mul3A_148, 8 : i32
        %dma_start3A_150 = tpu.memref_slice %arg2[%multiple_of3A_149] : memref<419430400xf32, #tpu.memory_space<hbm>> -> memref<25600xf32, #tpu.memory_space<hbm>>
        %dma_start3A_151 = tpu.memref_slice %arg2[%multiple_of3A_149] : memref<419430400xf32, #tpu.memory_space<hbm>> -> memref<25600xf32, #tpu.memory_space<hbm>>
        tpu.enqueue_dma source(%dma_start3A_151 : memref<25600xf32, #tpu.memory_space<hbm>>) target(%arg8 : memref<25600xf32, #tpu.memory_space<vmem>>) target_semaphore(%arg12 : memref<!tpu.dma_semaphore, #tpu.memory_space<semaphore_mem>>)
      } else {
      }
      %add3A_52 = arith.addi %mul3A_2, %add3A_37 : i32
      %mul3A_53 = arith.constant 25600 : i32
      %mul3A_54 = arith.muli %add3A_52, %mul3A_53 : i32
      %multiple_of3A_55 = tpu.assume_multiple %mul3A_54, 8 : i32
      %dma_start3A_56 = tpu.memref_slice %arg4[%multiple_of3A_55] : memref<419430400xf32, #tpu.memory_space<hbm>> -> memref<25600xf32, #tpu.memory_space<hbm>>
      %dma_start3A_57 = tpu.memref_slice %arg4[%multiple_of3A_55] : memref<419430400xf32, #tpu.memory_space<hbm>> -> memref<25600xf32, #tpu.memory_space<hbm>>
      tpu.enqueue_dma source(%arg6 : memref<25600xf32, #tpu.memory_space<vmem>>) target(%dma_start3A_57 : memref<25600xf32, #tpu.memory_space<hbm>>) target_semaphore(%arg14 : memref<!tpu.dma_semaphore, #tpu.memory_space<semaphore_mem>>)
      %mul3A_58 = arith.constant 4 : i32
      %mul3A_59 = arith.muli %scan3A_33, %mul3A_58 : i32
      %add3A_60 = arith.constant 1 : i32
      %add3A_61 = arith.addi %mul3A_59, %add3A_60 : i32
      %add3A_62 = arith.addi %mul3A_2, %add3A_61 : i32
      %mul3A_63 = arith.constant 25600 : i32
      %mul3A_64 = arith.muli %add3A_62, %mul3A_63 : i32
      %multiple_of3A_65 = tpu.assume_multiple %mul3A_64, 8 : i32
      %dma_wait3A_66 = tpu.memref_slice %arg2[%multiple_of3A_65] : memref<419430400xf32, #tpu.memory_space<hbm>> -> memref<25600xf32, #tpu.memory_space<hbm>>
      %dma_wait3A_67 = tpu.memref_slice %arg2[%multiple_of3A_65] : memref<419430400xf32, #tpu.memory_space<hbm>> -> memref<25600xf32, #tpu.memory_space<hbm>>
      tpu.wait_dma2 semaphore(%arg11 : memref<!tpu.dma_semaphore, #tpu.memory_space<semaphore_mem>>) src(%dma_wait3A_67 : memref<25600xf32, #tpu.memory_space<hbm>>) dst(%arg7 : memref<25600xf32, #tpu.memory_space<vmem>>)
      %gt3A_68 = arith.constant 0 : i32
      %gt3A_69 = arith.cmpi sgt, %scan3A_33, %gt3A_68 : i32
      %convert_element_type3A_70 = arith.extui %gt3A_69 : i1 to i32
      %cond3A_71 = arith.constant 0 : i32
      %cond3A_72 = arith.cmpi ne, %convert_element_type3A_70, %cond3A_71 : i32
      scf.if %cond3A_72 {
        %add3A_144 = arith.addi %mul3A_2, %add3A_61 : i32
        %mul3A_145 = arith.constant 25600 : i32
        %mul3A_146 = arith.muli %add3A_144, %mul3A_145 : i32
        %multiple_of3A_147 = tpu.assume_multiple %mul3A_146, 8 : i32
        %dma_wait3A_148 = tpu.memref_slice %arg4[%multiple_of3A_147] : memref<419430400xf32, #tpu.memory_space<hbm>> -> memref<25600xf32, #tpu.memory_space<hbm>>
        %dma_wait3A_149 = tpu.memref_slice %arg4[%multiple_of3A_147] : memref<419430400xf32, #tpu.memory_space<hbm>> -> memref<25600xf32, #tpu.memory_space<hbm>>
        tpu.wait_dma2 semaphore(%arg17 : memref<!tpu.dma_semaphore, #tpu.memory_space<semaphore_mem>>) src(%arg9 : memref<25600xf32, #tpu.memory_space<vmem>>) dst(%dma_wait3A_149 : memref<25600xf32, #tpu.memory_space<hbm>>)
      } else {
      }
      %add3A_73 = arith.constant 2 : i32
      %add3A_74 = arith.addi %add3A_61, %add3A_73 : i32
      %lt3A_75 = arith.constant 512 : i32
      %lt3A_76 = arith.cmpi slt, %add3A_74, %lt3A_75 : i32
      %convert_element_type3A_77 = arith.extui %lt3A_76 : i1 to i32
      %cond3A_78 = arith.constant 0 : i32
      %cond3A_79 = arith.cmpi ne, %convert_element_type3A_77, %cond3A_78 : i32
      scf.if %cond3A_79 {
        %add3A_144 = arith.constant 2 : i32
        %add3A_145 = arith.addi %add3A_61, %add3A_144 : i32
        %add3A_146 = arith.addi %mul3A_2, %add3A_145 : i32
        %mul3A_147 = arith.constant 25600 : i32
        %mul3A_148 = arith.muli %add3A_146, %mul3A_147 : i32
        %multiple_of3A_149 = tpu.assume_multiple %mul3A_148, 8 : i32
        %dma_start3A_150 = tpu.memref_slice %arg2[%multiple_of3A_149] : memref<419430400xf32, #tpu.memory_space<hbm>> -> memref<25600xf32, #tpu.memory_space<hbm>>
        %dma_start3A_151 = tpu.memref_slice %arg2[%multiple_of3A_149] : memref<419430400xf32, #tpu.memory_space<hbm>> -> memref<25600xf32, #tpu.memory_space<hbm>>
        tpu.enqueue_dma source(%dma_start3A_151 : memref<25600xf32, #tpu.memory_space<hbm>>) target(%arg9 : memref<25600xf32, #tpu.memory_space<vmem>>) target_semaphore(%arg13 : memref<!tpu.dma_semaphore, #tpu.memory_space<semaphore_mem>>)
      } else {
      }
      %add3A_80 = arith.addi %mul3A_2, %add3A_61 : i32
      %mul3A_81 = arith.constant 25600 : i32
      %mul3A_82 = arith.muli %add3A_80, %mul3A_81 : i32
      %multiple_of3A_83 = tpu.assume_multiple %mul3A_82, 8 : i32
      %dma_start3A_84 = tpu.memref_slice %arg4[%multiple_of3A_83] : memref<419430400xf32, #tpu.memory_space<hbm>> -> memref<25600xf32, #tpu.memory_space<hbm>>
      %dma_start3A_85 = tpu.memref_slice %arg4[%multiple_of3A_83] : memref<419430400xf32, #tpu.memory_space<hbm>> -> memref<25600xf32, #tpu.memory_space<hbm>>
      tpu.enqueue_dma source(%arg7 : memref<25600xf32, #tpu.memory_space<vmem>>) target(%dma_start3A_85 : memref<25600xf32, #tpu.memory_space<hbm>>) target_semaphore(%arg15 : memref<!tpu.dma_semaphore, #tpu.memory_space<semaphore_mem>>)
      %mul3A_86 = arith.constant 4 : i32
      %mul3A_87 = arith.muli %scan3A_33, %mul3A_86 : i32
      %add3A_88 = arith.constant 2 : i32
      %add3A_89 = arith.addi %mul3A_87, %add3A_88 : i32
      %add3A_90 = arith.addi %mul3A_2, %add3A_89 : i32
      %mul3A_91 = arith.constant 25600 : i32
      %mul3A_92 = arith.muli %add3A_90, %mul3A_91 : i32
      %multiple_of3A_93 = tpu.assume_multiple %mul3A_92, 8 : i32
      %dma_wait3A_94 = tpu.memref_slice %arg2[%multiple_of3A_93] : memref<419430400xf32, #tpu.memory_space<hbm>> -> memref<25600xf32, #tpu.memory_space<hbm>>
      %dma_wait3A_95 = tpu.memref_slice %arg2[%multiple_of3A_93] : memref<419430400xf32, #tpu.memory_space<hbm>> -> memref<25600xf32, #tpu.memory_space<hbm>>
      tpu.wait_dma2 semaphore(%arg12 : memref<!tpu.dma_semaphore, #tpu.memory_space<semaphore_mem>>) src(%dma_wait3A_95 : memref<25600xf32, #tpu.memory_space<hbm>>) dst(%arg8 : memref<25600xf32, #tpu.memory_space<vmem>>)
      %add3A_96 = arith.addi %mul3A_2, %add3A_89 : i32
      %mul3A_97 = arith.constant 25600 : i32
      %mul3A_98 = arith.muli %add3A_96, %mul3A_97 : i32
      %multiple_of3A_99 = tpu.assume_multiple %mul3A_98, 8 : i32
      %dma_wait3A_100 = tpu.memref_slice %arg4[%multiple_of3A_99] : memref<419430400xf32, #tpu.memory_space<hbm>> -> memref<25600xf32, #tpu.memory_space<hbm>>
      %dma_wait3A_101 = tpu.memref_slice %arg4[%multiple_of3A_99] : memref<419430400xf32, #tpu.memory_space<hbm>> -> memref<25600xf32, #tpu.memory_space<hbm>>
      tpu.wait_dma2 semaphore(%arg14 : memref<!tpu.dma_semaphore, #tpu.memory_space<semaphore_mem>>) src(%arg6 : memref<25600xf32, #tpu.memory_space<vmem>>) dst(%dma_wait3A_101 : memref<25600xf32, #tpu.memory_space<hbm>>)
      %add3A_102 = arith.constant 2 : i32
      %add3A_103 = arith.addi %add3A_89, %add3A_102 : i32
      %lt3A_104 = arith.constant 512 : i32
      %lt3A_105 = arith.cmpi slt, %add3A_103, %lt3A_104 : i32
      %convert_element_type3A_106 = arith.extui %lt3A_105 : i1 to i32
      %cond3A_107 = arith.constant 0 : i32
      %cond3A_108 = arith.cmpi ne, %convert_element_type3A_106, %cond3A_107 : i32
      scf.if %cond3A_108 {
        %add3A_144 = arith.constant 2 : i32
        %add3A_145 = arith.addi %add3A_89, %add3A_144 : i32
        %add3A_146 = arith.addi %mul3A_2, %add3A_145 : i32
        %mul3A_147 = arith.constant 25600 : i32
        %mul3A_148 = arith.muli %add3A_146, %mul3A_147 : i32
        %multiple_of3A_149 = tpu.assume_multiple %mul3A_148, 8 : i32
        %dma_start3A_150 = tpu.memref_slice %arg2[%multiple_of3A_149] : memref<419430400xf32, #tpu.memory_space<hbm>> -> memref<25600xf32, #tpu.memory_space<hbm>>
        %dma_start3A_151 = tpu.memref_slice %arg2[%multiple_of3A_149] : memref<419430400xf32, #tpu.memory_space<hbm>> -> memref<25600xf32, #tpu.memory_space<hbm>>
        tpu.enqueue_dma source(%dma_start3A_151 : memref<25600xf32, #tpu.memory_space<hbm>>) target(%arg6 : memref<25600xf32, #tpu.memory_space<vmem>>) target_semaphore(%arg10 : memref<!tpu.dma_semaphore, #tpu.memory_space<semaphore_mem>>)
      } else {
      }
      %add3A_109 = arith.addi %mul3A_2, %add3A_89 : i32
      %mul3A_110 = arith.constant 25600 : i32
      %mul3A_111 = arith.muli %add3A_109, %mul3A_110 : i32
      %multiple_of3A_112 = tpu.assume_multiple %mul3A_111, 8 : i32
      %dma_start3A_113 = tpu.memref_slice %arg4[%multiple_of3A_112] : memref<419430400xf32, #tpu.memory_space<hbm>> -> memref<25600xf32, #tpu.memory_space<hbm>>
      %dma_start3A_114 = tpu.memref_slice %arg4[%multiple_of3A_112] : memref<419430400xf32, #tpu.memory_space<hbm>> -> memref<25600xf32, #tpu.memory_space<hbm>>
      tpu.enqueue_dma source(%arg8 : memref<25600xf32, #tpu.memory_space<vmem>>) target(%dma_start3A_114 : memref<25600xf32, #tpu.memory_space<hbm>>) target_semaphore(%arg16 : memref<!tpu.dma_semaphore, #tpu.memory_space<semaphore_mem>>)
      %mul3A_115 = arith.constant 4 : i32
      %mul3A_116 = arith.muli %scan3A_33, %mul3A_115 : i32
      %add3A_117 = arith.constant 3 : i32
      %add3A_118 = arith.addi %mul3A_116, %add3A_117 : i32
      %add3A_119 = arith.addi %mul3A_2, %add3A_118 : i32
      %mul3A_120 = arith.constant 25600 : i32
      %mul3A_121 = arith.muli %add3A_119, %mul3A_120 : i32
      %multiple_of3A_122 = tpu.assume_multiple %mul3A_121, 8 : i32
      %dma_wait3A_123 = tpu.memref_slice %arg2[%multiple_of3A_122] : memref<419430400xf32, #tpu.memory_space<hbm>> -> memref<25600xf32, #tpu.memory_space<hbm>>
      %dma_wait3A_124 = tpu.memref_slice %arg2[%multiple_of3A_122] : memref<419430400xf32, #tpu.memory_space<hbm>> -> memref<25600xf32, #tpu.memory_space<hbm>>
      tpu.wait_dma2 semaphore(%arg13 : memref<!tpu.dma_semaphore, #tpu.memory_space<semaphore_mem>>) src(%dma_wait3A_124 : memref<25600xf32, #tpu.memory_space<hbm>>) dst(%arg9 : memref<25600xf32, #tpu.memory_space<vmem>>)
      %add3A_125 = arith.addi %mul3A_2, %add3A_118 : i32
      %mul3A_126 = arith.constant 25600 : i32
      %mul3A_127 = arith.muli %add3A_125, %mul3A_126 : i32
      %multiple_of3A_128 = tpu.assume_multiple %mul3A_127, 8 : i32
      %dma_wait3A_129 = tpu.memref_slice %arg4[%multiple_of3A_128] : memref<419430400xf32, #tpu.memory_space<hbm>> -> memref<25600xf32, #tpu.memory_space<hbm>>
      %dma_wait3A_130 = tpu.memref_slice %arg4[%multiple_of3A_128] : memref<419430400xf32, #tpu.memory_space<hbm>> -> memref<25600xf32, #tpu.memory_space<hbm>>
      tpu.wait_dma2 semaphore(%arg15 : memref<!tpu.dma_semaphore, #tpu.memory_space<semaphore_mem>>) src(%arg7 : memref<25600xf32, #tpu.memory_space<vmem>>) dst(%dma_wait3A_130 : memref<25600xf32, #tpu.memory_space<hbm>>)
      %add3A_131 = arith.constant 2 : i32
      %add3A_132 = arith.addi %add3A_118, %add3A_131 : i32
      %lt3A_133 = arith.constant 512 : i32
      %lt3A_134 = arith.cmpi slt, %add3A_132, %lt3A_133 : i32
      %convert_element_type3A_135 = arith.extui %lt3A_134 : i1 to i32
      %cond3A_136 = arith.constant 0 : i32
      %cond3A_137 = arith.cmpi ne, %convert_element_type3A_135, %cond3A_136 : i32
      scf.if %cond3A_137 {
        %add3A_144 = arith.constant 2 : i32
        %add3A_145 = arith.addi %add3A_118, %add3A_144 : i32
        %add3A_146 = arith.addi %mul3A_2, %add3A_145 : i32
        %mul3A_147 = arith.constant 25600 : i32
        %mul3A_148 = arith.muli %add3A_146, %mul3A_147 : i32
        %multiple_of3A_149 = tpu.assume_multiple %mul3A_148, 8 : i32
        %dma_start3A_150 = tpu.memref_slice %arg2[%multiple_of3A_149] : memref<419430400xf32, #tpu.memory_space<hbm>> -> memref<25600xf32, #tpu.memory_space<hbm>>
        %dma_start3A_151 = tpu.memref_slice %arg2[%multiple_of3A_149] : memref<419430400xf32, #tpu.memory_space<hbm>> -> memref<25600xf32, #tpu.memory_space<hbm>>
        tpu.enqueue_dma source(%dma_start3A_151 : memref<25600xf32, #tpu.memory_space<hbm>>) target(%arg7 : memref<25600xf32, #tpu.memory_space<vmem>>) target_semaphore(%arg11 : memref<!tpu.dma_semaphore, #tpu.memory_space<semaphore_mem>>)
      } else {
      }
      %add3A_138 = arith.addi %mul3A_2, %add3A_118 : i32
      %mul3A_139 = arith.constant 25600 : i32
      %mul3A_140 = arith.muli %add3A_138, %mul3A_139 : i32
      %multiple_of3A_141 = tpu.assume_multiple %mul3A_140, 8 : i32
      %dma_start3A_142 = tpu.memref_slice %arg4[%multiple_of3A_141] : memref<419430400xf32, #tpu.memory_space<hbm>> -> memref<25600xf32, #tpu.memory_space<hbm>>
      %dma_start3A_143 = tpu.memref_slice %arg4[%multiple_of3A_141] : memref<419430400xf32, #tpu.memory_space<hbm>> -> memref<25600xf32, #tpu.memory_space<hbm>>
      tpu.enqueue_dma source(%arg9 : memref<25600xf32, #tpu.memory_space<vmem>>) target(%dma_start3A_143 : memref<25600xf32, #tpu.memory_space<hbm>>) target_semaphore(%arg17 : memref<!tpu.dma_semaphore, #tpu.memory_space<semaphore_mem>>)
    }
    %scan3A_19 = arith.constant 128 : i32
    %add3A_20 = arith.constant 510 : i32
    %add3A_21 = arith.addi %mul3A_2, %add3A_20 : i32
    %mul3A_22 = arith.constant 25600 : i32
    %mul3A_23 = arith.muli %add3A_21, %mul3A_22 : i32
    %multiple_of3A_24 = tpu.assume_multiple %mul3A_23, 8 : i32
    %dma_wait3A = tpu.memref_slice %arg4[%multiple_of3A_24] : memref<419430400xf32, #tpu.memory_space<hbm>> -> memref<25600xf32, #tpu.memory_space<hbm>>
    %dma_wait3A_25 = tpu.memref_slice %arg4[%multiple_of3A_24] : memref<419430400xf32, #tpu.memory_space<hbm>> -> memref<25600xf32, #tpu.memory_space<hbm>>
    tpu.wait_dma2 semaphore(%arg16 : memref<!tpu.dma_semaphore, #tpu.memory_space<semaphore_mem>>) src(%arg8 : memref<25600xf32, #tpu.memory_space<vmem>>) dst(%dma_wait3A_25 : memref<25600xf32, #tpu.memory_space<hbm>>)
    %add3A_26 = arith.constant 511 : i32
    %add3A_27 = arith.addi %mul3A_2, %add3A_26 : i32
    %mul3A_28 = arith.constant 25600 : i32
    %mul3A_29 = arith.muli %add3A_27, %mul3A_28 : i32
    %multiple_of3A_30 = tpu.assume_multiple %mul3A_29, 8 : i32
    %dma_wait3A_31 = tpu.memref_slice %arg4[%multiple_of3A_30] : memref<419430400xf32, #tpu.memory_space<hbm>> -> memref<25600xf32, #tpu.memory_space<hbm>>
    %dma_wait3A_32 = tpu.memref_slice %arg4[%multiple_of3A_30] : memref<419430400xf32, #tpu.memory_space<hbm>> -> memref<25600xf32, #tpu.memory_space<hbm>>
    tpu.wait_dma2 semaphore(%arg17 : memref<!tpu.dma_semaphore, #tpu.memory_space<semaphore_mem>>) src(%arg9 : memref<25600xf32, #tpu.memory_space<vmem>>) dst(%dma_wait3A_32 : memref<25600xf32, #tpu.memory_space<hbm>>)
    return
  }
}

</mosaic_0001>

<sc_bundles>
// kernel: kernel.3.cloned.1.call-start
scs
__scs_entry_jumppad:
0x0: {  	(pc) =	sbr.rel $0x88, $3  }
0x1: {  	(tag) =	ssettag $0x0;
	lr =	simm.s32 $0x1  }
0x2: {  	[smem:$0x3F9F] =	sst lr;
	_ =	strace $0xD0000000  }
0x3: {  	_ = 	snop  }
0x4: {  	_ = 	snop  }
0x5: {  	_ = 	snop  }
0x6: {  	_ = 	snop  }
0x7: {  	_ = 	snop  }
__scs_overlays_trampoline_lowered:
0x8: {  	[smem:$0x3FAE] =	sst s0  }
0x9: {  	[smem:$0x3FAF] =	sst s1  }
0xa: {  	[smem:$0x3FB0] =	sst s2  }
0xb: {  	[smem:$0x3FB1] =	sst s3  }
0xc: {  	[smem:$0x3FB2] =	sst s4  }
0xd: {  	[smem:$0x3FB3] =	sst s5  }
0xe: {  	[smem:$0x3FB4] =	sst s6  }
0xf: {  	[smem:$0x3FB5] =	sst s7  }
0x10: {  	[smem:$0x3FB6] =	sst s8  }
0x11: {  	[smem:$0x3FB7] =	sst s9;
	s0 =	simm.s32 @!p0 $0x0  }
0x12: {  	s1 =	sld [smem:$0x3F9D];
	s0 =	simm.s32 @p0 $0x1  }
0x13: {  	[smem:$0x3FB8] =	sst s0;
	s0 =	simm.s32 @!p1 $0x0  }
0x14: {  	s2 =	sld [smem:$0x3F9C];
	s0 =	simm.s32 @p1 $0x1  }
0x15: {  	[smem:$0x3FB9] =	sst s0;
	s0 =	simm.s32 @!p2 $0x0  }
0x16: {  	s3 =	sld [smem:$0x3FDB];
	s0 =	simm.s32 @p2 $0x1  }
0x17: {  	s4 =	simm.s32 $0x1BF5;
	[smem:$0x3FBB] =	sst s0  }
0x18: {  	s0 =	sld [smem:$0x3F9E];
	_ =	swait.ge [sflag:s4], $0x0  }
0x19: {  	s7 =	sld [smem:$0x3F9F]  }
0x1a: {  	s8 =	sadd.s32 $0xFFFFE003, lr  }
0x1b: {  	s9 =	sadd.s32 $0xFFFFFEF7, lr;
	s5 =	simm.s32 $0xFFFFFFFF;
	p2 =	slt.u32 s8, $0xFFFFF086  }
0x1c: {  	p1 =	slt.u32 s9, $0xF7A;
	s5 =	simm.s32 @!p2 $0x0  }
0x1d: {  	s5 =	simm.s32 @p1 $0x1;
	p0 =	seq.s32 s7, s2  }
0x1e: {  	s7 =	smul.u32 @!p0 $0xF7A, s2;
	p2 =	seq.s32 @!p0 s5, $0x0  }
0x1f: {  	s9 =	smul.u32 $0xF7A, s1;
	s8 =	simm.s32 @!p0 $0x1BF5;
	p2 =	por !p2, p0  }
0x20: {  	[sflag:s8] =	ssyncset.s32 @!p0 $0xFFFFF086;
	s6 =	sadd.s32 @!p0 s3, s7;
	s7 =	simm.s32 @!p0 $0x108  }
0x21: {  	s3 =	sadd.s32 s3, s9;
	s6 =	sadd.s32 @!p0 $0x88, s6;
	s7 =	simm.s32 @p2 $0x1082  }
0x22: {  	[simem:s7], [sflag:s8] =	dma.local @!p0 [hbm:s6], $0xF7A  }
0x23: {  	s9 =	sor.u32 $0xD0000000, s2;
	s6 =	simm.s32 $0x108;
	_ =	swait.ge @!p0 [sflag:s8], $0x0  }
0x24: {  	s3 =	sadd.s32 $0x88, s3;
	s6 =	simm.s32 @!p1 $0x1082;
	[sflag:s4] =	ssyncset.s32 $0xFFFFF086  }
0x25: {  	[simem:s6], [sflag:s4] =	dma.local [hbm:s3], $0xF7A  }
0x26: {  	[smem:$0x3F9F] =	sst s1;
	(tag) =	ssettag s2;
	_ =	strace s9  }
0x27: {  	s1 =	sld [smem:$0x3FAF]  }
0x28: {  	s2 =	sld [smem:$0x3FB0]  }
0x29: {  	s4 =	sld [smem:$0x3FB2]  }
0x2a: {  	p0 =	seq.s32 s5, $0x0;
	s5 =	sld [smem:$0x3FB3]  }
0x2b: {  	s6 =	sld [smem:$0x3FB4]  }
0x2c: {  	s7 =	sld [smem:$0x3FB5]  }
0x2d: {  	s3 =	simm.s32 $0x108;
	s8 =	sld [smem:$0x3FB6]  }
0x2e: {  	s3 =	simm.s32 @!p0 $0x1082;
	s9 =	sld [smem:$0x3FB7]  }
0x2f: {  	lr =	sadd.s32 s0, s3;
	s0 =	sld [smem:$0x3FAE]  }
0x30: {  	s3 =	sld [smem:$0x3FB1]  }
0x31: {  	[smem:$0x3FBA] =	sst s10  }
0x32: {  	s10 =	sld [smem:$0x3FB8];
	_ =	sdelay $0x3  }
0x33: {  	p0 =	seq.s32 s10, $0x1;
	s10 =	sld [smem:$0x3FBA];
	_ =	sdelay $0x3  }
0x34: {  	[smem:$0x3FBA] =	sst s10  }
0x35: {  	s10 =	sld [smem:$0x3FB9];
	_ =	sdelay $0x3  }
0x36: {  	p1 =	seq.s32 s10, $0x1;
	s10 =	sld [smem:$0x3FBA];
	_ =	sdelay $0x3  }
0x37: {  	[smem:$0x3FBA] =	sst s10  }
0x38: {  	s10 =	sld [smem:$0x3FBB]  }
0x39: {  	_ = 	snop;
	(pc) =	sbr.ind lr, $3  }
0x3a: {  	_ = 	snop  }
0x3b: {  	_ = 	snop  }
0x3c: {  	p2 =	seq.s32 s10, $0x1;
	s10 =	sld [smem:$0x3FBA]  }
0x3d: {  	_ =	shalt  }
0x3e: {  	_ =	shalt  }
0x3f: {  	_ =	shalt  }
0x40: {  	_ =	shalt  }
0x41: {  	_ =	shalt  }
0x42: {  	_ =	shalt  }
0x43: {  	_ =	shalt  }
0x44: {  	_ =	shalt  }
0x45: {  	_ =	shalt  }
0x46: {  	_ =	shalt  }
0x47: {  	_ =	shalt  }
0x48: {  	_ =	shalt  }
0x49: {  	_ =	shalt  }
0x4a: {  	_ =	shalt  }
0x4b: {  	_ =	shalt  }
0x4c: {  	_ =	shalt  }
0x4d: {  	_ =	shalt  }
0x4e: {  	_ =	shalt  }
0x4f: {  	_ =	shalt  }
0x50: {  	_ =	shalt  }
0x51: {  	_ =	shalt  }
0x52: {  	_ =	shalt  }
0x53: {  	_ =	shalt  }
0x54: {  	_ =	shalt  }
0x55: {  	_ =	shalt  }
0x56: {  	_ =	shalt  }
0x57: {  	_ =	shalt  }
0x58: {  	_ =	shalt  }
0x59: {  	_ =	shalt  }
0x5a: {  	_ =	shalt  }
0x5b: {  	_ =	shalt  }
0x5c: {  	_ =	shalt  }
0x5d: {  	_ =	shalt  }
0x5e: {  	_ =	shalt  }
0x5f: {  	_ =	shalt  }
0x60: {  	_ =	shalt  }
0x61: {  	_ =	shalt  }
0x62: {  	_ =	shalt  }
0x63: {  	_ =	shalt  }
0x64: {  	_ =	shalt  }
0x65: {  	_ =	shalt  }
0x66: {  	_ =	shalt  }
0x67: {  	_ =	shalt  }
0x68: {  	_ =	shalt  }
0x69: {  	_ =	shalt  }
0x6a: {  	_ =	shalt  }
0x6b: {  	_ =	shalt  }
0x6c: {  	_ =	shalt  }
0x6d: {  	_ =	shalt  }
0x6e: {  	_ =	shalt  }
0x6f: {  	_ =	shalt  }
0x70: {  	_ =	shalt  }
0x71: {  	_ =	shalt  }
0x72: {  	_ =	shalt  }
0x73: {  	_ =	shalt  }
0x74: {  	_ =	shalt  }
0x75: {  	_ =	shalt  }
0x76: {  	_ =	shalt  }
0x77: {  	_ =	shalt  }
0x78: {  	_ =	shalt  }
0x79: {  	_ =	shalt  }
0x7a: {  	_ =	shalt  }
0x7b: {  	_ =	shalt  }
0x7c: {  	_ =	shalt  }
0x7d: {  	_ =	shalt  }
0x7e: {  	_ =	shalt  }
0x7f: {  	_ =	shalt  }
0x80: {  	_ =	shalt  }
0x81: {  	_ =	shalt  }
0x82: {  	_ =	shalt  }
0x83: {  	_ =	shalt  }
0x84: {  	_ =	shalt  }
0x85: {  	_ =	shalt  }
0x86: {  	_ =	shalt  }
0x87: {  	_ =	shalt  }
.Lfunc_end0:
.L_simem_size_0:
called_computation_lowered:
.L_overlay_start_0:
0x88: {  	s2 =	sld [smem:$0x3FD9]  }
0x89: {  	s3 =	sld [smem:$0x3FFE];
	_ =	sdelay $0x1  }
0x8a: {  	s1 =	srdreg.scid  }
0x8b: {  	s0 =	sand.u32 $0x1, s1  }
0x8c: {  	s18 =	sshll.u32 s0, $0xA;
	s2 =	sadd.s32 s3, s2  }
0x8d: {  	s2 =	sadd.s32 s2, s18  }
0x8e: {  	[smem:$0x3FC6] =	sst s2  }
0x8f: {  	_ = 	snop  }
0x90: {  	s2 =	sld [smem:$0x3FC9]  }
0x91: {  	s19 =	sld [smem:$0x3FC8]  }
0x92: {  	s4 =	sld [smem:$0x3FD0];
	(tm) =	ssettm $0x1  }
0x93: {  	s5 =	sld [smem:$0x3FFB];
	_ =	sdelay $0x3  }
0x94: {  	_ =	strace s5  }
0x95: {  	s5 =	sld [smem:$0x3FFC];
	_ =	sdelay $0x3  }
0x96: {  	_ =	strace s5  }
0x97: {  	s5 =	sld [smem:$0x3FFD];
	_ =	sdelay $0x3  }
0x98: {  	_ =	strace s5  }
0x99: {  	_ =	strace $0x8FFFFFFF  }
0x9a: {  	s20 =	sld [smem:$0x3FDB];
	_ =	sdelay $0x1  }
0x9b: {  	s6 =	simm.s32 $_scs_section_size  }
0x9c: {  	s7 =	simm.s32 $_size__tile_overlayer_lowered;
	s8 =	simm.s32 $_tile_overlayer_lowered  }
0x9d: {  	s23 =	simm.s32 $0x1BFF;
	s22 =	sshll.u32 s8, $0x1;
	s5 =	sadd.s32 s6, s20  }
0x9e: {  	s9 =	simm.s32 $0x0;
	s21 =	sshll.u32 s7, $0x1;
	s7 =	sadd.s32 s22, s5  }
0x9f: {  	[timem:s9], [sflag:s23] =	dma.local [hbm:s7], s21  }
0xa0: {  	_ =	swait.ge [sflag:s23], s21  }
0xa1: {  	s6 =	ssub.s32 $0x0, s21;
	[sflag:s23] =	ssyncset.done $0x0  }
0xa2: {  	[sflag:s23] =	ssyncadd.s32 s6;
	_ =	sdelay $0x1  }
0xa3: {  	s24 =	simm.s32 $0x1B8B  }
0xa4: {  	_ =	swait.ge [sflag:s24], $0x1  }
0xa5: {  	[sflag:s24] =	ssyncset.done $0x0  }
0xa6: {  	s25 =	simm.s32 $0x1B8E;
	[sflag:s24] =	ssyncadd.s32 $0xFFFFFFFF  }
0xa7: {  	s26 =	simm.s32 $execute0_lowered;
	[smem:$0x3FD2] =	sst s25  }
0xa8: {  	s6 =	sshll.u32 s26, $0x1;
	_ =	strace $0x80000046;
	[dreg:$0x1] =	wrdreg $0xFFFFFFFF  }
0xa9: {  	s28 =	simm.s32 $_size_execute0_lowered;
	s5 =	sadd.s32 s5, s6;
	[dreg:$0x0] =	wrdreg $0x0  }
0xaa: {  	s6 =	sshll.u32 s28, $0x1;
	[dreg:$0x2] =	wrdreg s5  }
0xab: {  	[dreg:$0x3] =	wrdreg s6  }
0xac: {  	[dreg:$0x4] =	wrdreg $0xC0  }
0xad: {  	_ =	task [dreg:s9], $0x5FFFF  }
0xae: {  	[dreg:$0x1] =	wrdreg $0xFFFFFFFF  }
0xaf: {  	[dreg:$0x0] =	wrdreg $0x60  }
0xb0: {  	[dreg:$0x2] =	wrdreg s2  }
0xb1: {  	[dreg:$0x3] =	wrdreg s19  }
0xb2: {  	[dreg:$0x4] =	wrdreg s4  }
0xb3: {  	[dreg:$0x5] =	wrdreg $0x9  }
0xb4: {  	_ =	task.clear_ibuf [dreg:s9], $0x6FFFF;
	_ =	strace $0x90000046  }
0xb5: {  	s29 =	simm.s32 $0x9;
	_ =	strace $0x80000048  }
0xb6: {  	_ =	swait.ge [sflag:s29], $0x1  }
0xb7: {  	[sflag:s29] =	ssyncadd.s32 $0xFFFFFFFF  }
0xb8: {  	_ =	strace $0x90000048  }
0xb9: {  	_ =	sfence  }
0xba: {  	s30 =	sld [smem:$0x0];
	_ =	sdelay $0x2  }
0xbb: {  	s31 =	sshll.u32 s1, $0xD;
	s1 =	sshrl.u32 s1, $0x2  }
0xbc: {  	s3 =	sand.u32 $0x4000, s31;
	s1 =	sadd.s32 s1, s30  }
0xbd: {  	s0 =	sor.u32 s3, s0;
	s1 =	sshll.u32 s1, $0x11  }
0xbe: {  	s0 =	sor.u32 s1, s0  }
0xbf: {  	s0 =	sadd.s32 $0x8F2B, s0  }
0xc0: {  	[sflag:s0] =	ssyncadd.remote.s32 $0x1  }
0xc1: {  	_ =	sfence.sel $0xFFFF  }
0xc2: {  	[dreg:$0x0] =	wrdreg $0xFFFFFFFF;
	(pc) =	sbr.abs _section_cstart, $3  }
0xc3: {  	[dreg:$0x1] =	wrdreg $0xFFFFFFFF  }
0xc4: {  	_ =	task.clear_ibuf [dreg:s9], $0x2FFFF;
	_ =	strace $0x9FFFFFFF  }
0xc5: {  	(tm) =	ssettm $0x7FFFFFFF  }
tec
execute0_lowered:
.L_overlay_start_1:
0x0: {  	(tag) =	ssettag $0x1  }
0x1: {  	s6 =	rddreg [dreg:$0x0]  }
0x2: {  	s2 =	rddreg [dreg:$0x1];
	s1 =	srdreg.scid  }
0x3: {  	s0 =	stileid.u32;
	s8 =	rddreg [dreg:$0x2];
	s3 =	simm.s32 $0x0  }
0x4: {  	s12 =	simm.s32 $0x1;
	s13 =	simm.s32 $0x12C00;
	s14 =	simm.s32 $0x2  }
0x5: {  	s15 =	simm.s32 $0x19000;
	s16 =	simm.s32 $0x3;
	s17 =	simm.s32 $0x5  }
0x6: {  	s18 =	simm.s32 $0x4;
	s19 =	simm.s32 $0x6;
	s20 =	simm.s32 $0x7  }
0x7: {  	s21 =	simm.s32 $0x8;
	s22 =	simm.s32 $0x0;
	s5 =	sand.u32 $0x1, s1  }
0x8: {  	s4 =	sshll.u32 s0, $0x1;
	s1 =	rddreg [dreg:$0x3];
	s9 =	smul.u32 $0x320000, s0  }
0x9: {  	[smem:$0x7FF] =	sst s3;
	s4 =	sor.u32 s5, s4;
	s11 =	smul.u32 $0x190000, s5  }
0xa: {  	_ =	strace $0x80000047;
	s7 =	ssub.s32 $0x2, s5;
	s4 =	smul.u32 $0x190000, s4  }
0xb: {  	s10 =	sshrl.u32 s7, $0x1;
	s31 =	sadd.s32 s9, s6;
	s8 =	sadd.s32 s9, s8  }
0xc: {  	s9 =	simm.s32 $0x9;
	s7 =	ssub.s32 s7, s10;
	s8 =	sadd.s32 s11, s8  }
0xd: {  	s10 =	simm.s32 $0x6400;
	s4 =	sadd.s32 s6, s4;
	s6 =	smax.u32 s7, $0x1  }
0xe: {  	s7 =	sadd.s32 s11, s31;
	s11 =	simm.s32 $0xC800;
	s5 =	sadd.s32 $0xC80, s4  }
.LBB2_1:
0xf: {  	[tilespmem:s3], [sflag:$0x9] =	stream.linear.gather [hbm4b:s2+s3], $0x6400, $0x38;
	[tilespmem:$0x1F400] =	vst v63  }
0x10: {  	_ =	swait.ge [sflag:s9], $0x6400  }
0x11: {  	[sflag:s9] =	ssyncset.done $0x0  }
0x12: {  	[sflag:s9] =	ssyncadd.s32 $0xFFFF9C00  }
0x13: {  	[tilespmem:s10], [sflag:$0x1] =	stream.linear.gather [hbm4b:s4+s3], $0x6400, $0x38;
	[tilespmem:$0x1F400] =	vst v63  }
0x14: {  	_ = 	snop  }
0x15: {  	[tilespmem:s11], [sflag:$0x2] =	stream.linear.gather [hbm4b:s5+s3], $0x6400, $0x38;
	[tilespmem:$0x1F400] =	vst v63  }
0x16: {  	_ =	swait.ge [sflag:s12], $0x6400  }
0x17: {  	p0 =	por $0x1, $0x1;
	[sflag:s12] =	ssyncset.done $0x0  }
0x18: {  	s23 =	simm.s32 @!p0 $0x7;
	[sflag:s12] =	ssyncadd.s32 $0xFFFF9C00  }
0x19: {  	_ =	swait.ge @!p0 [sflag:s23], $0x6400  }
0x1a: {  	s24 =	sadd.s32 $0x0, s7;
	[sflag:s23] =	ssyncset.done @!p0 $0x0  }
0x1b: {  	s28 =	sadd.s32 $0x1900, s24;
	[sflag:s23] =	ssyncadd.s32 @!p0 $0xFFFF9C00  }
0x1c: {  	[tilespmem:s13], [sflag:$0x3] =	stream.linear.gather [hbm4b:s28+s3], $0x6400, $0x38;
	[tilespmem:$0x1F400] =	vst v63  }
0x1d: {  	s25 =	sadd.s32 $0x0, s8  }
0x1e: {  	[hbm4b:s25+s3] =	stream.linear.scatter [tilespmem:s10], [sflag:$0x5], $0x6400, $0x38;
	[tilespmem:$0x1F400] =	vst v63  }
0x1f: {  	_ =	swait.ge [sflag:s14], $0x6400  }
0x20: {  	[sflag:s14] =	ssyncset.done $0x0  }
0x21: {  	s23 =	simm.s32 @!p0 $0x8;
	[sflag:s14] =	ssyncadd.s32 $0xFFFF9C00  }
0x22: {  	_ =	swait.ge @!p0 [sflag:s23], $0x6400  }
0x23: {  	[sflag:s23] =	ssyncset.done @!p0 $0x0  }
0x24: {  	s29 =	sadd.s32 $0x2580, s24;
	[sflag:s23] =	ssyncadd.s32 @!p0 $0xFFFF9C00  }
0x25: {  	[tilespmem:s15], [sflag:$0x4] =	stream.linear.gather [hbm4b:s29+s3], $0x6400, $0x38;
	[tilespmem:$0x1F400] =	vst v63  }
0x26: {  	s30 =	sadd.s32 $0xC80, s25  }
0x27: {  	[hbm4b:s30+s3] =	stream.linear.scatter [tilespmem:s11], [sflag:$0x6], $0x6400, $0x38;
	[tilespmem:$0x1F400] =	vst v63  }
0x28: {  	_ =	swait.ge [sflag:s16], $0x6400  }
0x29: {  	[sflag:s16] =	ssyncset.done $0x0  }
0x2a: {  	[sflag:s16] =	ssyncadd.s32 $0xFFFF9C00  }
0x2b: {  	p0 =	por $0x0, $0x0;
	_ =	swait.ge [sflag:s17], $0x6400  }
0x2c: {  	s23 =	sadd.s32 @!p0 $0x0, s7;
	s24 =	simm.s32 @!p0 $0x6400;
	[sflag:s17] =	ssyncset.done $0x0  }
0x2d: {  	s28 =	simm.s32 @!p0 $0x0;
	s26 =	sadd.s32 @!p0 $0x3200, s23;
	[sflag:s17] =	ssyncadd.s32 $0xFFFF9C00  }
0x2e: {  	[tilespmem:s24], [sflag:$0x1] =	stream.linear.gather @!p0 [hbm4b:s26+s28], $0x6400, $0x38;
	[tilespmem:$0x1F400] =	vst v63  }
0x2f: {  	s31 =	sadd.s32 $0x1900, s25  }
0x30: {  	[hbm4b:s31+s3] =	stream.linear.scatter [tilespmem:s13], [sflag:$0x7], $0x6400, $0x38;
	[tilespmem:$0x1F400] =	vst v63  }
0x31: {  	_ =	swait.ge [sflag:s18], $0x6400  }
0x32: {  	[sflag:s18] =	ssyncset.done $0x0  }
0x33: {  	[sflag:s18] =	ssyncadd.s32 $0xFFFF9C00  }
0x34: {  	_ =	swait.ge [sflag:s19], $0x6400  }
0x35: {  	[sflag:s19] =	ssyncset.done $0x0  }
0x36: {  	s23 =	sadd.s32 @!p0 $0x3E80, s23;
	s24 =	simm.s32 @!p0 $0xC800;
	[sflag:s19] =	ssyncadd.s32 $0xFFFF9C00  }
0x37: {  	[tilespmem:s24], [sflag:$0x2] =	stream.linear.gather @!p0 [hbm4b:s23+s28], $0x6400, $0x38;
	[tilespmem:$0x1F400] =	vst v63  }
0x38: {  	s23 =	simm.s32 $0x3200;
	s24 =	sadd.s32 $0x2580, s25  }
.LBB2_2:
0x39: {  	[hbm4b:s24+s3] =	stream.linear.scatter [tilespmem:s15], [sflag:$0x8], $0x6400, $0x38;
	[tilespmem:$0x1F400] =	vst v63  }
0x3a: {  	s25 =	smov.u32 s23;
	s23 =	sadd.s32 $0x3200, s23;
	_ =	swait.ge [sflag:s12], $0x6400  }
0x3b: {  	p1 =	seq.s32 s25, $0x0;
	p0 =	sne.s32 s23, $0x190000;
	[sflag:s12] =	ssyncset.done $0x0  }
0x3c: {  	s24 =	simm.s32 @!p1 $0x7;
	[sflag:s12] =	ssyncadd.s32 $0xFFFF9C00  }
0x3d: {  	_ =	swait.ge @!p1 [sflag:s24], $0x6400  }
0x3e: {  	s26 =	sadd.s32 s25, s7;
	[sflag:s24] =	ssyncset.done @!p1 $0x0  }
0x3f: {  	[sflag:s24] =	ssyncadd.s32 @!p1 $0xFFFF9C00;
	s24 =	sadd.s32 $0x1900, s26  }
0x40: {  	[tilespmem:s13], [sflag:$0x3] =	stream.linear.gather [hbm4b:s24+s3], $0x6400, $0x38;
	[tilespmem:$0x1F400] =	vst v63  }
0x41: {  	s24 =	sadd.s32 s25, s8  }
0x42: {  	[hbm4b:s24+s3] =	stream.linear.scatter [tilespmem:s10], [sflag:$0x5], $0x6400, $0x38;
	[tilespmem:$0x1F400] =	vst v63  }
0x43: {  	_ =	swait.ge [sflag:s14], $0x6400  }
0x44: {  	[sflag:s14] =	ssyncset.done $0x0  }
0x45: {  	s28 =	simm.s32 @!p1 $0x8;
	[sflag:s14] =	ssyncadd.s32 $0xFFFF9C00  }
0x46: {  	_ =	swait.ge @!p1 [sflag:s28], $0x6400  }
0x47: {  	[sflag:s28] =	ssyncset.done @!p1 $0x0  }
0x48: {  	s26 =	sadd.s32 $0x2580, s26;
	[sflag:s28] =	ssyncadd.s32 @!p1 $0xFFFF9C00  }
0x49: {  	[tilespmem:s15], [sflag:$0x4] =	stream.linear.gather [hbm4b:s26+s3], $0x6400, $0x38;
	[tilespmem:$0x1F400] =	vst v63  }
0x4a: {  	s26 =	sadd.s32 $0xC80, s24  }
0x4b: {  	[hbm4b:s26+s3] =	stream.linear.scatter [tilespmem:s11], [sflag:$0x6], $0x6400, $0x38;
	[tilespmem:$0x1F400] =	vst v63  }
0x4c: {  	_ =	swait.ge [sflag:s16], $0x6400  }
0x4d: {  	[sflag:s16] =	ssyncset.done $0x0  }
0x4e: {  	[sflag:s16] =	ssyncadd.s32 $0xFFFF9C00  }
0x4f: {  	p1 =	seq.s32 s25, $0x18CE00;
	_ =	swait.ge [sflag:s17], $0x6400  }
0x50: {  	s25 =	sadd.s32 @!p1 s25, s7;
	s26 =	simm.s32 @!p1 $0x6400;
	[sflag:s17] =	ssyncset.done $0x0  }
0x51: {  	s29 =	simm.s32 @!p1 $0x0;
	s28 =	sadd.s32 @!p1 $0x3200, s25;
	[sflag:s17] =	ssyncadd.s32 $0xFFFF9C00  }
0x52: {  	[tilespmem:s26], [sflag:$0x1] =	stream.linear.gather @!p1 [hbm4b:s28+s29], $0x6400, $0x38;
	[tilespmem:$0x1F400] =	vst v63  }
0x53: {  	s25 =	sadd.s32 @!p1 $0x3E80, s25;
	s26 =	sadd.s32 $0x1900, s24  }
0x54: {  	[hbm4b:s26+s3] =	stream.linear.scatter [tilespmem:s13], [sflag:$0x7], $0x6400, $0x38;
	[tilespmem:$0x1F400] =	vst v63  }
0x55: {  	_ =	swait.ge [sflag:s18], $0x6400  }
0x56: {  	[sflag:s18] =	ssyncset.done $0x0  }
0x57: {  	[sflag:s18] =	ssyncadd.s32 $0xFFFF9C00  }
.Ltmp0:
0x58: {  	_ =	swait.ge [sflag:s19], $0x6400;
	(pc) =	sbr.rel @p0 .LBB2_2-.Ltmp0, $4  }
0x59: {  	[sflag:s19] =	ssyncset.done $0x0  }
0x5a: {  	s26 =	simm.s32 @!p1 $0xC800;
	[sflag:s19] =	ssyncadd.s32 $0xFFFF9C00  }
0x5b: {  	[tilespmem:s26], [sflag:$0x2] =	stream.linear.gather @!p1 [hbm4b:s25+s29], $0x6400, $0x38;
	[tilespmem:$0x1F400] =	vst v63  }
0x5c: {  	s24 =	sadd.s32 $0x2580, s24  }
0x5d: {  	[hbm4b:s24+s3] =	stream.linear.scatter [tilespmem:s15], [sflag:$0x8], $0x6400, $0x38;
	[tilespmem:$0x1F400] =	vst v63  }
0x5e: {  	s22 =	sadd.s32 $0x1, s22  }
0x5f: {  	_ =	swait.ge [sflag:s20], $0x6400;
	p0 =	sne.s32 s22, s6  }
.Ltmp1:
0x60: {  	[sflag:s20] =	ssyncset.done $0x0;
	(pc) =	sbr.rel @p0 .LBB2_1-.Ltmp1, $4  }
0x61: {  	[sflag:s20] =	ssyncadd.s32 $0xFFFF9C00  }
0x62: {  	_ =	swait.ge [sflag:s21], $0x6400  }
0x63: {  	[sflag:s21] =	ssyncset.done $0x0  }
0x64: {  	[sflag:s21] =	ssyncadd.s32 $0xFFFF9C00  }
0x65: {  	_ =	sfence.sel $0x180000  }
0x66: {  	[bflag:$0x0] =	sbarrier.arrive $0xFFFF  }
0x67: {  	p0 =	sne.s32 s0, $0x0;
	_ =	strace $0x90000047  }
0x68: {  	s0 =	sadd.s32 @!p0 $0x100000, s1;
	[bflag:$0x2] =	sbarrier.arrive $0xFFFF  }
0x69: {  	[sflag:s0] =	ssyncadd.tile.s32 @!p0 $0x1;
	_ =	shalt  }
.Lfunc_end2:
_tile_overlayer_lowered:
.L_overlay_start_2:
0x6a: {  	(tag) =	ssettag $0x2  }
0x6b: {  	s0 =	rddreg [dreg:$0x0];
	s2 =	stileid.u32  }
0x6c: {  	s1 =	rddreg [dreg:$0x1];
	p0 =	sne.s32 s2, $0x0  }
0x6d: {  	s3 =	rddreg [dreg:$0x2];
	[bflag:$0x3] =	sbarrier.arrive $0xFFFF;
	s2 =	simm.s32 @!p0 $0x1C09  }
0x6e: {  	[timem:s3], [sflag:s2] =	dma.local @!p0 [hbm:s0], s1  }
0x6f: {  	s0 =	simm.s32 @!p0 $0x9  }
0x70: {  	_ =	swait.ge @!p0 [sflag:s0], s1  }
0x71: {  	s1 =	ssub.s32 @!p0 $0x0, s1;
	[sflag:s0] =	ssyncset.done @!p0 $0x0  }
0x72: {  	[sflag:s0] =	ssyncadd.s32 @!p0 s1  }
0x73: {  	[bflag:$0x3] =	sbarrier.arrive $0xFFFF  }
0x74: {  	_ =	shalt  }

</sc_bundles>
